<compile_context>
chip_gen: v7x
topology: tpu7x:2x2x1
jax: 0.10.2.dev20260603
libtpu: 0.0.44.dev20260713+nightly
codegen_flags: <defaults>
</compile_context>

<pallas_src>
import functools

import jax
import jax.numpy as jnp
from jax import lax
from jax.experimental import pallas as pl
from jax.experimental.pallas import tpu as pltpu
from jax.experimental.pallas import tpu_sc as plsc

VOCAB_ROWS = 30000
DIM = 100

NUM_CORES = 2
NUM_SUBCORES = 16
LANES = 16
NUM_WORKERS = NUM_CORES * NUM_SUBCORES

CHUNK = 8192
NCHUNK = (VOCAB_ROWS + CHUNK - 1) // CHUNK
VOCAB_PAD = NCHUNK * CHUNK


def _tw_body(w_ref, b_ref, tt_ref, out_ref):
    acc = jax.lax.dot_general(
        w_ref[...], tt_ref[...],
        dimension_numbers=(((1,), (0,)), ((), ())),
        preferred_element_type=jnp.float32,
    )
    out_ref[...] = acc.reshape(CHUNK) + b_ref[0]


def _precompute_tw(table_t, W, b):
    return pl.pallas_call(
        _tw_body,
        grid=(NCHUNK,),
        in_specs=[
            pl.BlockSpec((1, DIM), lambda i: (0, 0)),
            pl.BlockSpec(memory_space=pltpu.SMEM),
            pl.BlockSpec((DIM, CHUNK), lambda i: (0, i)),
        ],
        out_specs=pl.BlockSpec((CHUNK,), lambda i: (i,)),
        out_shape=jax.ShapeDtypeStruct((VOCAB_PAD,), jnp.float32),
    )(W, b, table_t)


def _gather_kernel(batch, seq):
    cols_per_w = batch // NUM_WORKERS
    mesh = plsc.VectorSubcoreMesh(
        core_axis_name="c", subcore_axis_name="s",
        num_cores=NUM_CORES, num_subcores=NUM_SUBCORES)

    @functools.partial(
        pl.kernel,
        mesh=mesh,
        out_type=jax.ShapeDtypeStruct((seq, batch), jnp.float32),
        scratch_types=[
            pltpu.VMEM((VOCAB_PAD,), jnp.float32),
            pltpu.VMEM((seq, cols_per_w), jnp.int32),
            pltpu.VMEM((seq, cols_per_w), jnp.float32),
        ],
        compiler_params=pltpu.CompilerParams(
            needs_layout_passes=False, use_tc_tiling_on_sc=False),
    )
    def gather(tw_hbm, xt_hbm, out_hbm, tw_v, x_v, out_v):
        wid = lax.axis_index("s") * NUM_CORES + lax.axis_index("c")
        col0 = wid * cols_per_w
        pltpu.sync_copy(tw_hbm, tw_v)
        pltpu.sync_copy(xt_hbm.at[:, pl.ds(col0, cols_per_w)], x_v)

        @plsc.parallel_loop(0, seq, 1, unroll=2)
        def body(l):
            for j0 in range(0, cols_per_w, LANES):
                idx16 = x_v[l, pl.ds(j0, LANES)]
                out_v[l, pl.ds(j0, LANES)] = plsc.load_gather(tw_v, [idx16])

        pltpu.sync_copy(out_v, out_hbm.at[:, pl.ds(col0, cols_per_w)])

    return gather


def kernel(x, table, W, b):
    B, L = x.shape
    table_t = pltpu.with_memory_space_constraint(
        table.T, pltpu.MemorySpace.HBM)
    tw = _precompute_tw(table_t, W, b)
    out_t = _gather_kernel(B, L)(tw, x.T)
    return jnp.expand_dims(out_t.T, -1)

# --- scband reference (transcript-rebuilt; emitter-appended) ---
"""Pipeline reference for scband-simple-model-70729521430907 (READ-ONLY COPY).

The authoritative reference and input builder live on the scoring server;
editing this copy changes nothing except your own understanding.
"""

import jax, jax.numpy as jnp
import numpy as np

VOCAB = 30000
EMBED_DIM = 100


def setup_inputs(seed: int = 0) -> dict:
    key = jax.random.key(seed)
    x = jax.random.randint(key, (4096, 50), 0, VOCAB, dtype=jnp.int32)
    # Faithful to torch init: embedding.weight[i] filled with float(i)
    table = jnp.broadcast_to(
        jnp.arange(VOCAB, dtype=jnp.float32)[:, None], (VOCAB, EMBED_DIM)
    ) * jnp.ones((VOCAB, EMBED_DIM), dtype=jnp.float32)
    # linear.weight filled with 1.0, bias zeroed
    W = jnp.ones((1, EMBED_DIM), dtype=jnp.float32)
    b = jnp.zeros((1,), dtype=jnp.float32)
    return {"x": x, "table": table, "W": W, "b": b}


def reference(x, table, W, b):
    # x = self.embedding(x)
    emb = jnp.take(table, x, axis=0)  # [B, L, D] gather -> SparseCore-friendly
    # x = self.linear(x)
    out = jnp.matmul(emb, W.T) + b  # [B, L, 1]
    return out

if __name__ == "__main__":
    import jax
    _d = setup_inputs()
    print(jax.jit(kernel)(*tuple(_d.values())))

</pallas_src>

<mosaic_0001>
#map = affine_map<(d0, d1) -> (0)>
#map1 = affine_map<(d0, d1) -> (0, 0)>
module attributes {stable_mosaic.version = 14 : i64} {
  func.func @gather(%arg0: i32, %arg1: i32, %arg2: memref<32768xf32, #tpu.memory_space<hbm>>, %arg3: memref<50x4096xi32, #tpu.memory_space<hbm>>, %arg4: memref<50x4096xf32, #tpu.memory_space<hbm>>, %arg5: memref<32768xf32, #tpu.memory_space<vmem>>, %arg6: memref<50x128xi32, #tpu.memory_space<vmem>>, %arg7: memref<50x128xf32, #tpu.memory_space<vmem>>) attributes {dimension_semantics = [#tpu.dimension_semantics<core_parallel>, #tpu.dimension_semantics<subcore_parallel>], iteration_bounds = array<i64: 2, 16>, scalar_prefetch = 0 : i64, scratch_operands = 3 : i64, tpu.core_type = #tpu.core_type<sc_vector_subcore>, window_params = [{transform_indices = #map}, {transform_indices = #map1}, {transform_indices = #map1}]} {
    %mul3A = arith.constant 2 : i32
    %mul3A_0 = arith.muli %arg1, %mul3A : i32
    %add3A = arith.addi %mul3A_0, %arg0 : i32
    %mul3A_1 = arith.constant 128 : i32
    %mul3A_2 = arith.muli %add3A, %mul3A_1 : i32
    "tpu.region"() ({
      %run_scoped3A = tpu.sem_alloc : memref<!tpu.dma_semaphore, #tpu.memory_space<semaphore_mem>>
      tpu.enqueue_dma source(%arg2 : memref<32768xf32, #tpu.memory_space<hbm>>) target(%arg5 : memref<32768xf32, #tpu.memory_space<vmem>>) target_semaphore(%run_scoped3A : memref<!tpu.dma_semaphore, #tpu.memory_space<semaphore_mem>>)
      tpu.wait_dma2 semaphore(%run_scoped3A : memref<!tpu.dma_semaphore, #tpu.memory_space<semaphore_mem>>) src(%arg2 : memref<32768xf32, #tpu.memory_space<hbm>>) dst(%arg5 : memref<32768xf32, #tpu.memory_space<vmem>>)
      tpu.yield
    }) : () -> ()
    "tpu.region"() ({
      %run_scoped3A = tpu.sem_alloc : memref<!tpu.dma_semaphore, #tpu.memory_space<semaphore_mem>>
      %dma_start3A = arith.constant 0 : i32
      %dma_start3A_5 = tpu.memref_slice %arg3[%dma_start3A, %mul3A_2] : memref<50x4096xi32, #tpu.memory_space<hbm>> -> memref<50x128xi32, #tpu.memory_space<hbm>>
      %dma_start3A_6 = arith.constant 0 : i32
      %dma_start3A_7 = tpu.memref_slice %arg3[%dma_start3A_6, %mul3A_2] : memref<50x4096xi32, #tpu.memory_space<hbm>> -> memref<50x128xi32, #tpu.memory_space<hbm>>
      tpu.enqueue_dma source(%dma_start3A_7 : memref<50x128xi32, #tpu.memory_space<hbm>>) target(%arg6 : memref<50x128xi32, #tpu.memory_space<vmem>>) target_semaphore(%run_scoped3A : memref<!tpu.dma_semaphore, #tpu.memory_space<semaphore_mem>>)
      %dma_wait3A = arith.constant 0 : i32
      %dma_wait3A_8 = tpu.memref_slice %arg3[%dma_wait3A, %mul3A_2] : memref<50x4096xi32, #tpu.memory_space<hbm>> -> memref<50x128xi32, #tpu.memory_space<hbm>>
      %dma_wait3A_9 = arith.constant 0 : i32
      %dma_wait3A_10 = tpu.memref_slice %arg3[%dma_wait3A_9, %mul3A_2] : memref<50x4096xi32, #tpu.memory_space<hbm>> -> memref<50x128xi32, #tpu.memory_space<hbm>>
      tpu.wait_dma2 semaphore(%run_scoped3A : memref<!tpu.dma_semaphore, #tpu.memory_space<semaphore_mem>>) src(%dma_wait3A_10 : memref<50x128xi32, #tpu.memory_space<hbm>>) dst(%arg6 : memref<50x128xi32, #tpu.memory_space<vmem>>)
      tpu.yield
    }) : () -> ()
    %parallel_loop3A = arith.constant 0 : i32
    %parallel_loop3A_3 = arith.constant 50 : i32
    %parallel_loop3A_4 = arith.constant 1 : i32
    scf.for %parallel_loop3A_5 = %parallel_loop3A to %parallel_loop3A_3 step %parallel_loop3A_4  : i32 {
      %parallel_loop3A_6 = arith.index_cast %parallel_loop3A_5 : i32 to index
      %parallel_loop3A_7 = arith.constant 0 : index
      %parallel_loop3A_8 = tpu.vector_load %arg6[%parallel_loop3A_6, %parallel_loop3A_7] {strides = array<i32>} : memref<50x128xi32, #tpu.memory_space<vmem>>, vector<16xi32>,
      %parallel_loop3A_9 = tpu.vector_load_idx %arg5[%parallel_loop3A_8] : memref<32768xf32, #tpu.memory_space<vmem>>[vector<16xi32>], vector<16xf32>,
      %parallel_loop3A_10 = arith.index_cast %parallel_loop3A_5 : i32 to index
      %parallel_loop3A_11 = arith.constant 0 : index
      %parallel_loop3A_12 = tpu.vector_load %arg7[%parallel_loop3A_10, %parallel_loop3A_11] {strides = array<i32>} : memref<50x128xf32, #tpu.memory_space<vmem>>, vector<16xf32>,
      tpu.vector_store %arg7[%parallel_loop3A_10, %parallel_loop3A_11], %parallel_loop3A_9 {strides = array<i32>} : memref<50x128xf32, #tpu.memory_space<vmem>>, vector<16xf32>,
      %parallel_loop3A_13 = arith.index_cast %parallel_loop3A_5 : i32 to index
      %parallel_loop3A_14 = arith.constant 16 : index
      %parallel_loop3A_15 = tpu.vector_load %arg6[%parallel_loop3A_13, %parallel_loop3A_14] {strides = array<i32>} : memref<50x128xi32, #tpu.memory_space<vmem>>, vector<16xi32>,
      %parallel_loop3A_16 = tpu.vector_load_idx %arg5[%parallel_loop3A_15] : memref<32768xf32, #tpu.memory_space<vmem>>[vector<16xi32>], vector<16xf32>,
      %parallel_loop3A_17 = arith.index_cast %parallel_loop3A_5 : i32 to index
      %parallel_loop3A_18 = arith.constant 16 : index
      %parallel_loop3A_19 = tpu.vector_load %arg7[%parallel_loop3A_17, %parallel_loop3A_18] {strides = array<i32>} : memref<50x128xf32, #tpu.memory_space<vmem>>, vector<16xf32>,
      tpu.vector_store %arg7[%parallel_loop3A_17, %parallel_loop3A_18], %parallel_loop3A_16 {strides = array<i32>} : memref<50x128xf32, #tpu.memory_space<vmem>>, vector<16xf32>,
      %parallel_loop3A_20 = arith.index_cast %parallel_loop3A_5 : i32 to index
      %parallel_loop3A_21 = arith.constant 32 : index
      %parallel_loop3A_22 = tpu.vector_load %arg6[%parallel_loop3A_20, %parallel_loop3A_21] {strides = array<i32>} : memref<50x128xi32, #tpu.memory_space<vmem>>, vector<16xi32>,
      %parallel_loop3A_23 = tpu.vector_load_idx %arg5[%parallel_loop3A_22] : memref<32768xf32, #tpu.memory_space<vmem>>[vector<16xi32>], vector<16xf32>,
      %parallel_loop3A_24 = arith.index_cast %parallel_loop3A_5 : i32 to index
      %parallel_loop3A_25 = arith.constant 32 : index
      %parallel_loop3A_26 = tpu.vector_load %arg7[%parallel_loop3A_24, %parallel_loop3A_25] {strides = array<i32>} : memref<50x128xf32, #tpu.memory_space<vmem>>, vector<16xf32>,
      tpu.vector_store %arg7[%parallel_loop3A_24, %parallel_loop3A_25], %parallel_loop3A_23 {strides = array<i32>} : memref<50x128xf32, #tpu.memory_space<vmem>>, vector<16xf32>,
      %parallel_loop3A_27 = arith.index_cast %parallel_loop3A_5 : i32 to index
      %parallel_loop3A_28 = arith.constant 48 : index
      %parallel_loop3A_29 = tpu.vector_load %arg6[%parallel_loop3A_27, %parallel_loop3A_28] {strides = array<i32>} : memref<50x128xi32, #tpu.memory_space<vmem>>, vector<16xi32>,
      %parallel_loop3A_30 = tpu.vector_load_idx %arg5[%parallel_loop3A_29] : memref<32768xf32, #tpu.memory_space<vmem>>[vector<16xi32>], vector<16xf32>,
      %parallel_loop3A_31 = arith.index_cast %parallel_loop3A_5 : i32 to index
      %parallel_loop3A_32 = arith.constant 48 : index
      %parallel_loop3A_33 = tpu.vector_load %arg7[%parallel_loop3A_31, %parallel_loop3A_32] {strides = array<i32>} : memref<50x128xf32, #tpu.memory_space<vmem>>, vector<16xf32>,
      tpu.vector_store %arg7[%parallel_loop3A_31, %parallel_loop3A_32], %parallel_loop3A_30 {strides = array<i32>} : memref<50x128xf32, #tpu.memory_space<vmem>>, vector<16xf32>,
      %parallel_loop3A_34 = arith.index_cast %parallel_loop3A_5 : i32 to index
      %parallel_loop3A_35 = arith.constant 64 : index
      %parallel_loop3A_36 = tpu.vector_load %arg6[%parallel_loop3A_34, %parallel_loop3A_35] {strides = array<i32>} : memref<50x128xi32, #tpu.memory_space<vmem>>, vector<16xi32>,
      %parallel_loop3A_37 = tpu.vector_load_idx %arg5[%parallel_loop3A_36] : memref<32768xf32, #tpu.memory_space<vmem>>[vector<16xi32>], vector<16xf32>,
      %parallel_loop3A_38 = arith.index_cast %parallel_loop3A_5 : i32 to index
      %parallel_loop3A_39 = arith.constant 64 : index
      %parallel_loop3A_40 = tpu.vector_load %arg7[%parallel_loop3A_38, %parallel_loop3A_39] {strides = array<i32>} : memref<50x128xf32, #tpu.memory_space<vmem>>, vector<16xf32>,
      tpu.vector_store %arg7[%parallel_loop3A_38, %parallel_loop3A_39], %parallel_loop3A_37 {strides = array<i32>} : memref<50x128xf32, #tpu.memory_space<vmem>>, vector<16xf32>,
      %parallel_loop3A_41 = arith.index_cast %parallel_loop3A_5 : i32 to index
      %parallel_loop3A_42 = arith.constant 80 : index
      %parallel_loop3A_43 = tpu.vector_load %arg6[%parallel_loop3A_41, %parallel_loop3A_42] {strides = array<i32>} : memref<50x128xi32, #tpu.memory_space<vmem>>, vector<16xi32>,
      %parallel_loop3A_44 = tpu.vector_load_idx %arg5[%parallel_loop3A_43] : memref<32768xf32, #tpu.memory_space<vmem>>[vector<16xi32>], vector<16xf32>,
      %parallel_loop3A_45 = arith.index_cast %parallel_loop3A_5 : i32 to index
      %parallel_loop3A_46 = arith.constant 80 : index
      %parallel_loop3A_47 = tpu.vector_load %arg7[%parallel_loop3A_45, %parallel_loop3A_46] {strides = array<i32>} : memref<50x128xf32, #tpu.memory_space<vmem>>, vector<16xf32>,
      tpu.vector_store %arg7[%parallel_loop3A_45, %parallel_loop3A_46], %parallel_loop3A_44 {strides = array<i32>} : memref<50x128xf32, #tpu.memory_space<vmem>>, vector<16xf32>,
      %parallel_loop3A_48 = arith.index_cast %parallel_loop3A_5 : i32 to index
      %parallel_loop3A_49 = arith.constant 96 : index
      %parallel_loop3A_50 = tpu.vector_load %arg6[%parallel_loop3A_48, %parallel_loop3A_49] {strides = array<i32>} : memref<50x128xi32, #tpu.memory_space<vmem>>, vector<16xi32>,
      %parallel_loop3A_51 = tpu.vector_load_idx %arg5[%parallel_loop3A_50] : memref<32768xf32, #tpu.memory_space<vmem>>[vector<16xi32>], vector<16xf32>,
      %parallel_loop3A_52 = arith.index_cast %parallel_loop3A_5 : i32 to index
      %parallel_loop3A_53 = arith.constant 96 : index
      %parallel_loop3A_54 = tpu.vector_load %arg7[%parallel_loop3A_52, %parallel_loop3A_53] {strides = array<i32>} : memref<50x128xf32, #tpu.memory_space<vmem>>, vector<16xf32>,
      tpu.vector_store %arg7[%parallel_loop3A_52, %parallel_loop3A_53], %parallel_loop3A_51 {strides = array<i32>} : memref<50x128xf32, #tpu.memory_space<vmem>>, vector<16xf32>,
      %parallel_loop3A_55 = arith.index_cast %parallel_loop3A_5 : i32 to index
      %parallel_loop3A_56 = arith.constant 112 : index
      %parallel_loop3A_57 = tpu.vector_load %arg6[%parallel_loop3A_55, %parallel_loop3A_56] {strides = array<i32>} : memref<50x128xi32, #tpu.memory_space<vmem>>, vector<16xi32>,
      %parallel_loop3A_58 = tpu.vector_load_idx %arg5[%parallel_loop3A_57] : memref<32768xf32, #tpu.memory_space<vmem>>[vector<16xi32>], vector<16xf32>,
      %parallel_loop3A_59 = arith.index_cast %parallel_loop3A_5 : i32 to index
      %parallel_loop3A_60 = arith.constant 112 : index
      %parallel_loop3A_61 = tpu.vector_load %arg7[%parallel_loop3A_59, %parallel_loop3A_60] {strides = array<i32>} : memref<50x128xf32, #tpu.memory_space<vmem>>, vector<16xf32>,
      tpu.vector_store %arg7[%parallel_loop3A_59, %parallel_loop3A_60], %parallel_loop3A_58 {strides = array<i32>} : memref<50x128xf32, #tpu.memory_space<vmem>>, vector<16xf32>,
    } {sc.loop_unroll_factor = 2 : i64, sc.parallel_access}
    "tpu.region"() ({
      %run_scoped3A = tpu.sem_alloc : memref<!tpu.dma_semaphore, #tpu.memory_space<semaphore_mem>>
      %dma_start3A = arith.constant 0 : i32
      %dma_start3A_5 = tpu.memref_slice %arg4[%dma_start3A, %mul3A_2] : memref<50x4096xf32, #tpu.memory_space<hbm>> -> memref<50x128xf32, #tpu.memory_space<hbm>>
      %dma_start3A_6 = arith.constant 0 : i32
      %dma_start3A_7 = tpu.memref_slice %arg4[%dma_start3A_6, %mul3A_2] : memref<50x4096xf32, #tpu.memory_space<hbm>> -> memref<50x128xf32, #tpu.memory_space<hbm>>
      tpu.enqueue_dma source(%arg7 : memref<50x128xf32, #tpu.memory_space<vmem>>) target(%dma_start3A_7 : memref<50x128xf32, #tpu.memory_space<hbm>>) target_semaphore(%run_scoped3A : memref<!tpu.dma_semaphore, #tpu.memory_space<semaphore_mem>>)
      %dma_wait3A = arith.constant 0 : i32
      %dma_wait3A_8 = tpu.memref_slice %arg4[%dma_wait3A, %mul3A_2] : memref<50x4096xf32, #tpu.memory_space<hbm>> -> memref<50x128xf32, #tpu.memory_space<hbm>>
      %dma_wait3A_9 = arith.constant 0 : i32
      %dma_wait3A_10 = tpu.memref_slice %arg4[%dma_wait3A_9, %mul3A_2] : memref<50x4096xf32, #tpu.memory_space<hbm>> -> memref<50x128xf32, #tpu.memory_space<hbm>>
      tpu.wait_dma2 semaphore(%run_scoped3A : memref<!tpu.dma_semaphore, #tpu.memory_space<semaphore_mem>>) src(%arg7 : memref<50x128xf32, #tpu.memory_space<vmem>>) dst(%dma_wait3A_10 : memref<50x128xf32, #tpu.memory_space<hbm>>)
      tpu.yield
    }) : () -> ()
    return
  }
}

module attributes {stable_mosaic.version = 14 : i64} {
  func.func @_tw_body(%arg0: i32, %arg1: memref<1x100xf32, #tpu.memory_space<vmem>>, %arg2: memref<1xf32, #tpu.memory_space<smem>>, %arg3: memref<100x8192xf32, #tpu.memory_space<vmem>>, %arg4: memref<8192xf32, #tpu.memory_space<vmem>>) attributes {dimension_semantics = [#tpu.dimension_semantics<arbitrary>], iteration_bounds = array<i64: 4>, scalar_prefetch = 0 : i64, scratch_operands = 0 : i64, tpu.core_type = #tpu.core_type<tc>, window_params = [{pipeline_mode = #tpu.pipeline_mode<synchronous>, transform_indices = @transform_0, window_bounds = array<i64: 1, 100>}, {transform_indices = @transform_1, window_bounds = array<i64: 1>}, {transform_indices = @transform_2, window_bounds = array<i64: 100, 8192>}, {transform_indices = @transform_3, window_bounds = array<i64: 8192>}]} {
    %get3A = arith.constant 0 : index
    %get3A_0 = arith.constant 0 : index
    %get3A_1 = vector.load %arg1[%get3A, %get3A_0] : memref<1x100xf32, #tpu.memory_space<vmem>>, vector<1x100xf32>
    %get3A_2 = arith.constant 0 : index
    %get3A_3 = arith.constant 0 : index
    %get3A_4 = vector.load %arg3[%get3A_2, %get3A_3] : memref<100x8192xf32, #tpu.memory_space<vmem>>, vector<100x8192xf32>
    %dot_general3A = arith.constant dense<0.000000e+00> : vector<1x8192xf32>
    %dot_general3A_5 = tpu.matmul %get3A_1, %get3A_4, %dot_general3A {dimension_numbers = #tpu.dot_dimension_numbers<[1], [0], [0], [1], [0, 0, 1, 1], [], []>, transpose_lhs_hint = false} : vector<1x100xf32>, vector<100x8192xf32>, vector<1x8192xf32> -> vector<1x8192xf32>
    %reshape3A = vector.shape_cast %dot_general3A_5 : vector<1x8192xf32> to vector<8192xf32>
    %get3A_6 = arith.constant 0 : index
    %get3A_7 = memref.load %arg2[%get3A_6] : memref<1xf32, #tpu.memory_space<smem>>
    %add3A = vector.broadcast %get3A_7 : f32 to vector<8192xf32>
    %add3A_8 = arith.addf %reshape3A, %add3A : vector<8192xf32>
    %swap3A = arith.constant 0 : index
    %swap3A_9 = vector.load %arg4[%swap3A] : memref<8192xf32, #tpu.memory_space<vmem>>, vector<8192xf32>
    tpu.vector_store %arg4[%swap3A], %add3A_8 {strides = array<i32>} : memref<8192xf32, #tpu.memory_space<vmem>>, vector<8192xf32>,
    return
  }
  func.func @transform_0(%arg0: i32) -> (i32, i32) {
    %c0_i32 = arith.constant 0 : i32
    %c0_i32_0 = arith.constant 0 : i32
    %c0_i32_1 = arith.constant 0 : i32
    return %c0_i32, %c0_i32_0 : i32, i32
  }
  func.func @transform_1(%arg0: i32) -> i32 {
    %c0_i32 = arith.constant 0 : i32
    %c0_i32_0 = arith.constant 0 : i32
    return %c0_i32 : i32
  }
  func.func @transform_2(%arg0: i32) -> (i32, i32) {
    %c0_i32 = arith.constant 0 : i32
    %c0_i32_0 = arith.constant 0 : i32
    return %c0_i32, %arg0 : i32, i32
  }
  func.func @transform_3(%arg0: i32) -> i32 {
    %c0_i32 = arith.constant 0 : i32
    return %arg0 : i32
  }
}

</mosaic_0001>

<sc_bundles>
// kernel: kernel.4.cloned.1.call-start
scs
__scs_entry_jumppad:
0x0: {  	(pc) =	sbr.rel $0x88, $3  }
0x1: {  	(tag) =	ssettag $0x0;
	lr =	simm.s32 $0x1  }
0x2: {  	[smem:$0x3F9D] =	sst lr;
	_ =	strace $0xD0000000  }
0x3: {  	_ = 	snop  }
0x4: {  	_ = 	snop  }
0x5: {  	_ = 	snop  }
0x6: {  	_ = 	snop  }
0x7: {  	_ = 	snop  }
__scs_overlays_trampoline_lowered:
0x8: {  	[smem:$0x3FAC] =	sst s0  }
0x9: {  	[smem:$0x3FAD] =	sst s1  }
0xa: {  	[smem:$0x3FAE] =	sst s2  }
0xb: {  	[smem:$0x3FAF] =	sst s3  }
0xc: {  	[smem:$0x3FB0] =	sst s4  }
0xd: {  	[smem:$0x3FB1] =	sst s5  }
0xe: {  	[smem:$0x3FB2] =	sst s6  }
0xf: {  	[smem:$0x3FB3] =	sst s7  }
0x10: {  	[smem:$0x3FB4] =	sst s8  }
0x11: {  	[smem:$0x3FB5] =	sst s9;
	s0 =	simm.s32 @!p0 $0x0  }
0x12: {  	s1 =	sld [smem:$0x3F9B];
	s0 =	simm.s32 @p0 $0x1  }
0x13: {  	[smem:$0x3FB6] =	sst s0;
	s0 =	simm.s32 @!p1 $0x0  }
0x14: {  	s2 =	sld [smem:$0x3F9A];
	s0 =	simm.s32 @p1 $0x1  }
0x15: {  	[smem:$0x3FB7] =	sst s0;
	s0 =	simm.s32 @!p2 $0x0  }
0x16: {  	s3 =	sld [smem:$0x3FDB];
	s0 =	simm.s32 @p2 $0x1  }
0x17: {  	s4 =	simm.s32 $0x1BF5;
	[smem:$0x3FB9] =	sst s0  }
0x18: {  	s0 =	sld [smem:$0x3F9C];
	_ =	swait.ge [sflag:s4], $0x0  }
0x19: {  	s7 =	sld [smem:$0x3F9D]  }
0x1a: {  	s8 =	sadd.s32 $0xFFFFE003, lr  }
0x1b: {  	s9 =	sadd.s32 $0xFFFFFEF7, lr;
	s5 =	simm.s32 $0xFFFFFFFF;
	p2 =	slt.u32 s8, $0xFFFFF086  }
0x1c: {  	p1 =	slt.u32 s9, $0xF7A;
	s5 =	simm.s32 @!p2 $0x0  }
0x1d: {  	s5 =	simm.s32 @p1 $0x1;
	p0 =	seq.s32 s7, s2  }
0x1e: {  	s7 =	smul.u32 @!p0 $0xF7A, s2;
	p2 =	seq.s32 @!p0 s5, $0x0  }
0x1f: {  	s9 =	smul.u32 $0xF7A, s1;
	s8 =	simm.s32 @!p0 $0x1BF5;
	p2 =	por !p2, p0  }
0x20: {  	[sflag:s8] =	ssyncset.s32 @!p0 $0xFFFFF086;
	s6 =	sadd.s32 @!p0 s3, s7;
	s7 =	simm.s32 @!p0 $0x108  }
0x21: {  	s3 =	sadd.s32 s3, s9;
	s6 =	sadd.s32 @!p0 $0x88, s6;
	s7 =	simm.s32 @p2 $0x1082  }
0x22: {  	[simem:s7], [sflag:s8] =	dma.local @!p0 [hbm:s6], $0xF7A  }
0x23: {  	s9 =	sor.u32 $0xD0000000, s2;
	s6 =	simm.s32 $0x108;
	_ =	swait.ge @!p0 [sflag:s8], $0x0  }
0x24: {  	s3 =	sadd.s32 $0x88, s3;
	s6 =	simm.s32 @!p1 $0x1082;
	[sflag:s4] =	ssyncset.s32 $0xFFFFF086  }
0x25: {  	[simem:s6], [sflag:s4] =	dma.local [hbm:s3], $0xF7A  }
0x26: {  	[smem:$0x3F9D] =	sst s1;
	(tag) =	ssettag s2;
	_ =	strace s9  }
0x27: {  	s1 =	sld [smem:$0x3FAD]  }
0x28: {  	s2 =	sld [smem:$0x3FAE]  }
0x29: {  	s4 =	sld [smem:$0x3FB0]  }
0x2a: {  	p0 =	seq.s32 s5, $0x0;
	s5 =	sld [smem:$0x3FB1]  }
0x2b: {  	s6 =	sld [smem:$0x3FB2]  }
0x2c: {  	s7 =	sld [smem:$0x3FB3]  }
0x2d: {  	s3 =	simm.s32 $0x108;
	s8 =	sld [smem:$0x3FB4]  }
0x2e: {  	s3 =	simm.s32 @!p0 $0x1082;
	s9 =	sld [smem:$0x3FB5]  }
0x2f: {  	lr =	sadd.s32 s0, s3;
	s0 =	sld [smem:$0x3FAC]  }
0x30: {  	s3 =	sld [smem:$0x3FAF]  }
0x31: {  	[smem:$0x3FB8] =	sst s10  }
0x32: {  	s10 =	sld [smem:$0x3FB6];
	_ =	sdelay $0x3  }
0x33: {  	p0 =	seq.s32 s10, $0x1;
	s10 =	sld [smem:$0x3FB8];
	_ =	sdelay $0x3  }
0x34: {  	[smem:$0x3FB8] =	sst s10  }
0x35: {  	s10 =	sld [smem:$0x3FB7];
	_ =	sdelay $0x3  }
0x36: {  	p1 =	seq.s32 s10, $0x1;
	s10 =	sld [smem:$0x3FB8];
	_ =	sdelay $0x3  }
0x37: {  	[smem:$0x3FB8] =	sst s10  }
0x38: {  	s10 =	sld [smem:$0x3FB9]  }
0x39: {  	_ = 	snop;
	(pc) =	sbr.ind lr, $3  }
0x3a: {  	_ = 	snop  }
0x3b: {  	_ = 	snop  }
0x3c: {  	p2 =	seq.s32 s10, $0x1;
	s10 =	sld [smem:$0x3FB8]  }
0x3d: {  	_ =	shalt  }
0x3e: {  	_ =	shalt  }
0x3f: {  	_ =	shalt  }
0x40: {  	_ =	shalt  }
0x41: {  	_ =	shalt  }
0x42: {  	_ =	shalt  }
0x43: {  	_ =	shalt  }
0x44: {  	_ =	shalt  }
0x45: {  	_ =	shalt  }
0x46: {  	_ =	shalt  }
0x47: {  	_ =	shalt  }
0x48: {  	_ =	shalt  }
0x49: {  	_ =	shalt  }
0x4a: {  	_ =	shalt  }
0x4b: {  	_ =	shalt  }
0x4c: {  	_ =	shalt  }
0x4d: {  	_ =	shalt  }
0x4e: {  	_ =	shalt  }
0x4f: {  	_ =	shalt  }
0x50: {  	_ =	shalt  }
0x51: {  	_ =	shalt  }
0x52: {  	_ =	shalt  }
0x53: {  	_ =	shalt  }
0x54: {  	_ =	shalt  }
0x55: {  	_ =	shalt  }
0x56: {  	_ =	shalt  }
0x57: {  	_ =	shalt  }
0x58: {  	_ =	shalt  }
0x59: {  	_ =	shalt  }
0x5a: {  	_ =	shalt  }
0x5b: {  	_ =	shalt  }
0x5c: {  	_ =	shalt  }
0x5d: {  	_ =	shalt  }
0x5e: {  	_ =	shalt  }
0x5f: {  	_ =	shalt  }
0x60: {  	_ =	shalt  }
0x61: {  	_ =	shalt  }
0x62: {  	_ =	shalt  }
0x63: {  	_ =	shalt  }
0x64: {  	_ =	shalt  }
0x65: {  	_ =	shalt  }
0x66: {  	_ =	shalt  }
0x67: {  	_ =	shalt  }
0x68: {  	_ =	shalt  }
0x69: {  	_ =	shalt  }
0x6a: {  	_ =	shalt  }
0x6b: {  	_ =	shalt  }
0x6c: {  	_ =	shalt  }
0x6d: {  	_ =	shalt  }
0x6e: {  	_ =	shalt  }
0x6f: {  	_ =	shalt  }
0x70: {  	_ =	shalt  }
0x71: {  	_ =	shalt  }
0x72: {  	_ =	shalt  }
0x73: {  	_ =	shalt  }
0x74: {  	_ =	shalt  }
0x75: {  	_ =	shalt  }
0x76: {  	_ =	shalt  }
0x77: {  	_ =	shalt  }
0x78: {  	_ =	shalt  }
0x79: {  	_ =	shalt  }
0x7a: {  	_ =	shalt  }
0x7b: {  	_ =	shalt  }
0x7c: {  	_ =	shalt  }
0x7d: {  	_ =	shalt  }
0x7e: {  	_ =	shalt  }
0x7f: {  	_ =	shalt  }
0x80: {  	_ =	shalt  }
0x81: {  	_ =	shalt  }
0x82: {  	_ =	shalt  }
0x83: {  	_ =	shalt  }
0x84: {  	_ =	shalt  }
0x85: {  	_ =	shalt  }
0x86: {  	_ =	shalt  }
0x87: {  	_ =	shalt  }
.Lfunc_end0:
.L_simem_size_0:
called_computation_lowered:
.L_overlay_start_0:
0x88: {  	s2 =	sld [smem:$0x3FD9]  }
0x89: {  	s3 =	sld [smem:$0x3FFE];
	_ =	sdelay $0x1  }
0x8a: {  	s1 =	srdreg.scid  }
0x8b: {  	s0 =	sand.u32 $0x1, s1  }
0x8c: {  	s17 =	sshll.u32 s0, $0xA;
	s2 =	sadd.s32 s3, s2  }
0x8d: {  	s2 =	sadd.s32 s2, s17  }
0x8e: {  	[smem:$0x3FC4] =	sst s2  }
0x8f: {  	_ = 	snop  }
0x90: {  	s2 =	sld [smem:$0x3FD0];
	(tm) =	ssettm $0x1  }
0x91: {  	s18 =	sld [smem:$0x3FFB];
	_ =	sdelay $0x3  }
0x92: {  	_ =	strace s18  }
0x93: {  	s3 =	sld [smem:$0x3FFC];
	_ =	sdelay $0x3  }
0x94: {  	_ =	strace s3  }
0x95: {  	s3 =	sld [smem:$0x3FFD];
	_ =	sdelay $0x3  }
0x96: {  	_ =	strace s3  }
0x97: {  	_ =	strace $0x8FFFFFFF  }
0x98: {  	s19 =	sld [smem:$0x3FDB];
	_ =	sdelay $0x1  }
0x99: {  	s4 =	simm.s32 $_scs_section_size  }
0x9a: {  	s5 =	simm.s32 $_size__tile_overlayer_lowered;
	s6 =	simm.s32 $_tile_overlayer_lowered  }
0x9b: {  	s22 =	simm.s32 $0x1BFF;
	s21 =	sshll.u32 s6, $0x1;
	s3 =	sadd.s32 s4, s19  }
0x9c: {  	s7 =	simm.s32 $0x0;
	s20 =	sshll.u32 s5, $0x1;
	s5 =	sadd.s32 s21, s3  }
0x9d: {  	[timem:s7], [sflag:s22] =	dma.local [hbm:s5], s20  }
0x9e: {  	_ =	swait.ge [sflag:s22], s20  }
0x9f: {  	s4 =	ssub.s32 $0x0, s20;
	[sflag:s22] =	ssyncset.done $0x0  }
0xa0: {  	[sflag:s22] =	ssyncadd.s32 s4;
	_ =	sdelay $0x1  }
0xa1: {  	s23 =	simm.s32 $0x1B8B  }
0xa2: {  	_ =	swait.ge [sflag:s23], $0x1  }
0xa3: {  	[sflag:s23] =	ssyncset.done $0x0  }
0xa4: {  	s25 =	simm.s32 $0x1B8E;
	s24 =	sld [smem:$0x3FFE];
	[sflag:s23] =	ssyncadd.s32 $0xFFFFFFFF  }
0xa5: {  	s26 =	simm.s32 $execute0_lowered;
	[smem:$0x3FD2] =	sst s25  }
0xa6: {  	s5 =	sshll.u32 s26, $0x1;
	_ =	strace $0x80000046;
	[dreg:$0x1] =	wrdreg $0xFFFFFFFF  }
0xa7: {  	s28 =	simm.s32 $_size_execute0_lowered;
	s3 =	sadd.s32 s3, s5;
	[dreg:$0x0] =	wrdreg $0x0  }
0xa8: {  	s5 =	sshll.u32 s28, $0x1;
	[dreg:$0x2] =	wrdreg s3  }
0xa9: {  	[dreg:$0x3] =	wrdreg s5  }
0xaa: {  	[dreg:$0x4] =	wrdreg $0xC0  }
0xab: {  	_ =	task [dreg:s7], $0x5FFFF  }
0xac: {  	[dreg:$0x1] =	wrdreg $0xFFFFFFFF  }
0xad: {  	[dreg:$0x0] =	wrdreg $0x60  }
0xae: {  	[dreg:$0x2] =	wrdreg s24  }
0xaf: {  	[dreg:$0x3] =	wrdreg s2  }
0xb0: {  	[dreg:$0x4] =	wrdreg $0x9  }
0xb1: {  	_ =	task.clear_ibuf [dreg:s7], $0x5FFFF;
	_ =	strace $0x90000046  }
0xb2: {  	s29 =	simm.s32 $0x9;
	_ =	strace $0x80000048  }
0xb3: {  	_ =	swait.ge [sflag:s29], $0x1  }
0xb4: {  	[sflag:s29] =	ssyncadd.s32 $0xFFFFFFFF  }
0xb5: {  	_ =	strace $0x90000048  }
0xb6: {  	_ =	sfence  }
0xb7: {  	s30 =	sld [smem:$0x0];
	_ =	sdelay $0x2  }
0xb8: {  	s31 =	sshll.u32 s1, $0xD;
	s1 =	sshrl.u32 s1, $0x2  }
0xb9: {  	s3 =	sand.u32 $0x4000, s31;
	s1 =	sadd.s32 s1, s30  }
0xba: {  	s0 =	sor.u32 s3, s0;
	s1 =	sshll.u32 s1, $0x11  }
0xbb: {  	s0 =	sor.u32 s1, s0  }
0xbc: {  	s0 =	sadd.s32 $0x8F2B, s0  }
0xbd: {  	[sflag:s0] =	ssyncadd.remote.s32 $0x1  }
0xbe: {  	_ =	sfence.sel $0xFFFF  }
0xbf: {  	[dreg:$0x0] =	wrdreg $0xFFFFFFFF;
	(pc) =	sbr.abs _section_cstart, $3  }
0xc0: {  	[dreg:$0x1] =	wrdreg $0xFFFFFFFF  }
0xc1: {  	_ =	task.clear_ibuf [dreg:s7], $0x2FFFF;
	_ =	strace $0x9FFFFFFF  }
0xc2: {  	(tm) =	ssettm $0x7FFFFFFF  }
0xc3: {  	_ =	shalt  }
tec
execute0_lowered:
.L_overlay_start_1:
0x0: {  	(tag) =	ssettag $0x1  }
0x1: {  	s4 =	rddreg [dreg:$0x0]  }
0x2: {  	s5 =	rddreg [dreg:$0x1]  }
0x3: {  	s0 =	rddreg [dreg:$0x2];
	s2 =	simm.s32 $0x0;
	s3 =	srdreg.scid  }
0x4: {  	s1 =	stileid.u32;
	s10 =	simm.s32 $0x8000;
	s11 =	simm.s32 $0x9900  }
0x5: {  	s12 =	simm.s32 $0x0;
	[smem:$0x7FF] =	sst s2;
	s3 =	sand.u32 $0x1, s3  }
0x6: {  	s6 =	sshll.u32 s1, $0x5;
	s7 =	sshll.u32 s3, $0x4;
	s8 =	ssub.s32 $0x2, s3  }
0x7: {  	_ =	strace $0x80000047;
	s6 =	sor.u32 s7, s6;
	s31 =	sshrl.u32 s8, $0x1  }
0x8: {  	s3 =	sadd.s32 $0x800, s4;
	s9 =	sadd.s32 s6, s4;
	s7 =	ssub.s32 s8, s31  }
0x9: {  	s4 =	sadd.s32 s5, s6;
	s8 =	simm.s32 $0x80;
	s5 =	sadd.s32 $0x1800, s9  }
0xa: {  	s6 =	smax.u32 s7, $0x1;
	s7 =	simm.s32 $0x1;
	s9 =	simm.s32 $0x1000  }
.LBB2_1:
0xb: {  	[tilespmem:s2], [sflag:$0x1] =	stream.linear.gather [hbm4b:s3+s2], $0x8000, $0x38;
	[tilespmem:$0xB200] =	vst v63  }
0xc: {  	_ =	swait.ge [sflag:s7], $0x8000  }
0xd: {  	[sflag:s7] =	ssyncset.done $0x0  }
0xe: {  	[sflag:s7] =	ssyncadd.s32 $0xFFFF8000  }
0xf: {  	[tilespmem:s10], [sflag:$0x1] =	stream.strided.gather [hbm4b:s4+s8], $0x1900, s9, s8, $0x38;
	[tilespmem:$0xB200] =	vst v63  }
0x10: {  	_ =	swait.ge [sflag:s7], $0x1900  }
0x11: {  	[sflag:s7] =	ssyncset.done $0x0  }
0x12: {  	s20 =	simm.s32 $0x8080;
	[sflag:s7] =	ssyncadd.s32 $0xFFFFE700  }
0x13: {  	v0 =	vld [tilespmem:s20+$0x0];
	_ =	sdelay $0x1  }
0x14: {  	v1 =	vld [tilespmem:s20+$0xFFFFFF80];
	_ =	sdelay $0x5  }
0x15: {  	v0 =	vld.idx.msk [tilespmem:v0+s2+$0x0], $0xffff;
	_ =	sdelay $0x1  }
0x16: {  	v1 =	vld.idx.msk [tilespmem:v1+s2+$0x0], $0xffff;
	_ =	sdelay $0x1  }
0x17: {  	s13 =	simm.s32 $0x9980  }
0x18: {  	[tilespmem:s13+$0x0] =	vst v0  }
0x19: {  	v0 =	vld [tilespmem:s20+$0x10]  }
0x1a: {  	[tilespmem:s13+$0xFFFFFF80] =	vst v1  }
0x1b: {  	v1 =	vld [tilespmem:s20+$0xFFFFFF90];
	_ =	sdelay $0x3  }
0x1c: {  	s15 =	simm.s32 $0x8180  }
0x1d: {  	v2 =	vld [tilespmem:s15+$0x0]  }
0x1e: {  	v0 =	vld.idx.msk [tilespmem:v0+s2+$0x0], $0xffff;
	_ =	sdelay $0x1  }
0x1f: {  	v1 =	vld.idx.msk [tilespmem:v1+s2+$0x0], $0xffff;
	_ =	sdelay $0x2  }
0x20: {  	[tilespmem:s13+$0x10] =	vst v0  }
0x21: {  	v0 =	vld [tilespmem:s20+$0x20]  }
0x22: {  	[tilespmem:s13+$0xFFFFFF90] =	vst v1;
	v1 =	vld.idx.msk [tilespmem:v2+s2+$0x0], $0xffff  }
0x23: {  	v3 =	vld [tilespmem:s15+$0xFFFFFF80];
	_ =	sdelay $0x1  }
0x24: {  	v2 =	vld [tilespmem:s20+$0xFFFFFFA0]  }
0x25: {  	s14 =	simm.s32 $0x9A80  }
0x26: {  	[tilespmem:s14+$0x0] =	vst v1  }
0x27: {  	v1 =	vld [tilespmem:s15+$0x10]  }
0x28: {  	v0 =	vld.idx.msk [tilespmem:v0+s2+$0x0], $0xffff;
	_ =	sdelay $0x1  }
0x29: {  	v3 =	vld.idx.msk [tilespmem:v3+s2+$0x0], $0xffff;
	_ =	sdelay $0x1  }
0x2a: {  	v2 =	vld.idx.msk [tilespmem:v2+s2+$0x0], $0xffff  }
0x2b: {  	[tilespmem:s13+$0x20] =	vst v0  }
0x2c: {  	v0 =	vld [tilespmem:s20+$0x30]  }
0x2d: {  	[tilespmem:s14+$0xFFFFFF80] =	vst v3;
	v1 =	vld.idx.msk [tilespmem:v1+s2+$0x0], $0xffff  }
0x2e: {  	v3 =	vld [tilespmem:s15+$0xFFFFFF90]  }
0x2f: {  	[tilespmem:s13+$0xFFFFFFA0] =	vst v2  }
0x30: {  	v2 =	vld [tilespmem:s20+$0xFFFFFFB0];
	_ =	sdelay $0x1  }
0x31: {  	[tilespmem:s14+$0x10] =	vst v1  }
0x32: {  	v1 =	vld [tilespmem:s15+$0x20]  }
0x33: {  	s16 =	simm.s32 $0x8280;
	v0 =	vld.idx.msk [tilespmem:v0+s2+$0x0], $0xffff  }
0x34: {  	v4 =	vld [tilespmem:s16+$0x0]  }
0x35: {  	v3 =	vld.idx.msk [tilespmem:v3+s2+$0x0], $0xffff  }
0x36: {  	v5 =	vld [tilespmem:s16+$0xFFFFFF80]  }
0x37: {  	v2 =	vld.idx.msk [tilespmem:v2+s2+$0x0], $0xffff  }
0x38: {  	[tilespmem:s13+$0x30] =	vst v0  }
0x39: {  	v0 =	vld [tilespmem:s20+$0x40]  }
0x3a: {  	[tilespmem:s14+$0xFFFFFF90] =	vst v3;
	v1 =	vld.idx.msk [tilespmem:v1+s2+$0x0], $0xffff  }
0x3b: {  	v3 =	vld [tilespmem:s15+$0xFFFFFFA0]  }
0x3c: {  	v4 =	vld.idx.msk [tilespmem:v4+s2+$0x0], $0xffff;
	[tilespmem:s13+$0xFFFFFFB0] =	vst v2  }
0x3d: {  	v2 =	vld [tilespmem:s20+$0xFFFFFFC0]  }
0x3e: {  	s18 =	simm.s32 $0x8380;
	v5 =	vld.idx.msk [tilespmem:v5+s2+$0x0], $0xffff  }
0x3f: {  	v6 =	vld [tilespmem:s18+$0x0];
	[tilespmem:s14+$0x20] =	vst v1  }
0x40: {  	s17 =	simm.s32 $0x9B80;
	v1 =	vld [tilespmem:s15+$0x30]  }
0x41: {  	[tilespmem:s17+$0x0] =	vst v4;
	v0 =	vld.idx.msk [tilespmem:v0+s2+$0x0], $0xffff  }
0x42: {  	v4 =	vld [tilespmem:s16+$0x10]  }
0x43: {  	[tilespmem:s17+$0xFFFFFF80] =	vst v5;
	v3 =	vld.idx.msk [tilespmem:v3+s2+$0x0], $0xffff  }
0x44: {  	v5 =	vld [tilespmem:s16+$0xFFFFFF90]  }
0x45: {  	v2 =	vld.idx.msk [tilespmem:v2+s2+$0x0], $0xffff  }
0x46: {  	v7 =	vld [tilespmem:s18+$0xFFFFFF80];
	[tilespmem:s13+$0x40] =	vst v0  }
0x47: {  	v0 =	vld [tilespmem:s20+$0x50]  }
0x48: {  	[tilespmem:s14+$0xFFFFFFA0] =	vst v3;
	v1 =	vld.idx.msk [tilespmem:v1+s2+$0x0], $0xffff  }
0x49: {  	v3 =	vld [tilespmem:s15+$0xFFFFFFB0]  }
0x4a: {  	v4 =	vld.idx.msk [tilespmem:v4+s2+$0x0], $0xffff;
	[tilespmem:s13+$0xFFFFFFC0] =	vst v2  }
0x4b: {  	v2 =	vld [tilespmem:s20+$0xFFFFFFD0]  }
0x4c: {  	v5 =	vld.idx.msk [tilespmem:v5+s2+$0x0], $0xffff  }
0x4d: {  	v6 =	vld.idx.msk [tilespmem:v6+s2+$0x0], $0xffff;
	[tilespmem:s14+$0x30] =	vst v1  }
0x4e: {  	v1 =	vld [tilespmem:s15+$0x40]  }
0x4f: {  	[tilespmem:s17+$0x10] =	vst v4;
	v0 =	vld.idx.msk [tilespmem:v0+s2+$0x0], $0xffff  }
0x50: {  	v4 =	vld [tilespmem:s16+$0x20]  }
0x51: {  	[tilespmem:s17+$0xFFFFFF90] =	vst v5;
	v3 =	vld.idx.msk [tilespmem:v3+s2+$0x0], $0xffff  }
0x52: {  	v5 =	vld [tilespmem:s16+$0xFFFFFFA0]  }
0x53: {  	v2 =	vld.idx.msk [tilespmem:v2+s2+$0x0], $0xffff  }
0x54: {  	v7 =	vld.idx.msk [tilespmem:v7+s2+$0x0], $0xffff;
	[tilespmem:s13+$0x50] =	vst v0  }
0x55: {  	v0 =	vld [tilespmem:s20+$0x60]  }
0x56: {  	s19 =	simm.s32 $0x9C80;
	[tilespmem:s14+$0xFFFFFFB0] =	vst v3;
	v1 =	vld.idx.msk [tilespmem:v1+s2+$0x0], $0xffff  }
0x57: {  	[tilespmem:s19+$0x0] =	vst v6;
	v3 =	vld [tilespmem:s15+$0xFFFFFFC0]  }
0x58: {  	[tilespmem:s13+$0xFFFFFFD0] =	vst v2;
	v2 =	vld.idx.msk [tilespmem:v4+s2+$0x0], $0xffff  }
0x59: {  	v6 =	vld [tilespmem:s18+$0x10]  }
0x5a: {  	v4 =	vld [tilespmem:s20+$0xFFFFFFE0]  }
0x5b: {  	v5 =	vld.idx.msk [tilespmem:v5+s2+$0x0], $0xffff;
	[tilespmem:s14+$0x40] =	vst v1  }
0x5c: {  	v1 =	vld [tilespmem:s15+$0x50]  }
0x5d: {  	[tilespmem:s17+$0x20] =	vst v2;
	v0 =	vld.idx.msk [tilespmem:v0+s2+$0x0], $0xffff  }
0x5e: {  	v2 =	vld [tilespmem:s16+$0x30]  }
0x5f: {  	[tilespmem:s19+$0xFFFFFF80] =	vst v7;
	v3 =	vld.idx.msk [tilespmem:v3+s2+$0x0], $0xffff  }
0x60: {  	v8 =	vld [tilespmem:s18+$0xFFFFFF90];
	[tilespmem:s17+$0xFFFFFFA0] =	vst v5  }
0x61: {  	v9 =	vld [tilespmem:s16+$0xFFFFFFB0]  }
0x62: {  	v4 =	vld.idx.msk [tilespmem:v4+s2+$0x0], $0xffff;
	[tilespmem:s13+$0x60] =	vst v0  }
0x63: {  	v0 =	vld [tilespmem:s20+$0x70]  }
0x64: {  	[tilespmem:s14+$0xFFFFFFC0] =	vst v3;
	v1 =	vld.idx.msk [tilespmem:v1+s2+$0x0], $0xffff  }
0x65: {  	v10 =	vld [tilespmem:s15+$0xFFFFFFD0]  }
0x66: {  	v2 =	vld.idx.msk [tilespmem:v2+s2+$0x0], $0xffff  }
0x67: {  	[tilespmem:s13+$0xFFFFFFE0] =	vst v4;
	v4 =	vld.idx.msk [tilespmem:v6+s2+$0x0], $0xffff;
	_ =	sdelay $0x1  }
0x68: {  	v5 =	vld.idx.msk [tilespmem:v8+s2+$0x0], $0xffff;
	[tilespmem:s14+$0x50] =	vst v1  }
0x69: {  	v1 =	vld [tilespmem:s15+$0x60]  }
0x6a: {  	[tilespmem:s17+$0x30] =	vst v2;
	v7 =	vld.idx.msk [tilespmem:v0+s2+$0x0], $0xffff  }
0x6b: {  	[tilespmem:s19+$0x10] =	vst v4;
	v4 =	vld.idx.msk [tilespmem:v9+s2+$0x0], $0xffff  }
0x6c: {  	v3 =	vld [tilespmem:s16+$0x40]  }
0x6d: {  	v2 =	vld.idx.msk [tilespmem:v10+s2+$0x0], $0xffff  }
0x6e: {  	v6 =	vld [tilespmem:s18+$0x20]  }
0x6f: {  	s21 =	simm.s32 $0x8480;
	v0 =	vld [tilespmem:s20+$0xFFFFFFF0];
	s20 =	simm.s32 $0x6;
	[tilespmem:s13+$0x70] =	vst v7  }
.LBB2_2:
0x70: {  	v7 =	vld [tilespmem:s21+$0x0];
	s20 =	sadd.s32 $0x2, s20;
	s22 =	smov.u32 s17;
	s17 =	smov.u32 s19  }
0x71: {  	v8 =	vld [tilespmem:s21+$0xFFFFFF80];
	p0 =	slt.u32 s20, $0x30;
	[tilespmem:s19+$0xFFFFFF90] =	vst v5  }
0x72: {  	v1 =	vld.idx.msk [tilespmem:v1+s2+$0x0], $0xffff  }
0x73: {  	v5 =	vld [tilespmem:s18+$0xFFFFFFA0];
	[tilespmem:s22+$0xFFFFFFB0] =	vst v4  }
0x74: {  	v3 =	vld.idx.msk [tilespmem:v3+s2+$0x0], $0xffff  }
0x75: {  	v4 =	vld [tilespmem:s16+$0xFFFFFFC0];
	[tilespmem:s14+$0xFFFFFFD0] =	vst v2  }
0x76: {  	v2 =	vld.idx.msk [tilespmem:v6+s2+$0x0], $0xffff  }
0x77: {  	v6 =	vld [tilespmem:s15+$0xFFFFFFE0]  }
0x78: {  	v7 =	vld.idx.msk [tilespmem:v7+s2+$0x0], $0xffff;
	[tilespmem:s14+$0x60] =	vst v1  }
0x79: {  	v1 =	vld [tilespmem:s15+$0x70]  }
0x7a: {  	v8 =	vld.idx.msk [tilespmem:v8+s2+$0x0], $0xffff;
	[tilespmem:s22+$0x40] =	vst v3  }
0x7b: {  	v3 =	vld [tilespmem:s16+$0x50]  }
0x7c: {  	v5 =	vld.idx.msk [tilespmem:v5+s2+$0x0], $0xffff;
	[tilespmem:s19+$0x20] =	vst v2  }
0x7d: {  	s19 =	sadd.s32 $0x100, s19;
	v2 =	vld [tilespmem:s18+$0x30]  }
0x7e: {  	[tilespmem:s19+$0x0] =	vst v7;
	v4 =	vld.idx.msk [tilespmem:v4+s2+$0x0], $0xffff  }
0x7f: {  	v7 =	vld [tilespmem:s21+$0x10]  }
0x80: {  	[tilespmem:s19+$0xFFFFFF80] =	vst v8;
	v6 =	vld.idx.msk [tilespmem:v6+s2+$0x0], $0xffff  }
0x81: {  	v1 =	vld.idx.msk [tilespmem:v1+s2+$0x0], $0xffff  }
0x82: {  	v8 =	vld [tilespmem:s21+$0xFFFFFF90];
	[tilespmem:s17+$0xFFFFFFA0] =	vst v5  }
0x83: {  	v3 =	vld.idx.msk [tilespmem:v3+s2+$0x0], $0xffff  }
0x84: {  	v9 =	vld [tilespmem:s18+$0xFFFFFFB0];
	[tilespmem:s22+$0xFFFFFFC0] =	vst v4  }
0x85: {  	v2 =	vld.idx.msk [tilespmem:v2+s2+$0x0], $0xffff  }
0x86: {  	v10 =	vld [tilespmem:s16+$0xFFFFFFD0];
	[tilespmem:s14+$0xFFFFFFE0] =	vst v6  }
0x87: {  	v4 =	vld.idx.msk [tilespmem:v7+s2+$0x0], $0xffff;
	[tilespmem:s14+$0x70] =	vst v1  }
0x88: {  	v6 =	vld [tilespmem:s15+$0xFFFFFFF0];
	s15 =	smov.u32 s16;
	s16 =	smov.u32 s18;
	s18 =	smov.u32 s21  }
0x89: {  	[tilespmem:s22+$0x50] =	vst v3;
	v7 =	vld.idx.msk [tilespmem:v0+s2+$0x0], $0xffff  }
0x8a: {  	v1 =	vld [tilespmem:s15+$0x60]  }
.Ltmp0:
0x8b: {  	v5 =	vld.idx.msk [tilespmem:v8+s2+$0x0], $0xffff;
	[tilespmem:s17+$0x30] =	vst v2;
	(pc) =	sbr.rel @p0 .LBB2_2-.Ltmp0, $4  }
0x8c: {  	v3 =	vld [tilespmem:s16+$0x40]  }
0x8d: {  	[tilespmem:s19+$0x10] =	vst v4;
	v4 =	vld.idx.msk [tilespmem:v9+s2+$0x0], $0xffff;
	v0 =	vmov v6  }
0x8e: {  	v6 =	vld [tilespmem:s21+$0x20]  }
0x8f: {  	s21 =	sadd.s32 $0x100, s21;
	v2 =	vld.idx.msk [tilespmem:v10+s2+$0x0], $0xffff;
	[tilespmem:s13+$0xFFFFFFF0] =	vst v7;
	s13 =	smov.u32 s14;
	s14 =	smov.u32 s22  }
0x90: {  	[tilespmem:s19+$0xFFFFFF90] =	vst v5  }
0x91: {  	v5 =	vld [tilespmem:s18+$0xFFFFFFA0];
	_ =	sdelay $0x6  }
0x92: {  	v6 =	vld.idx.msk [tilespmem:v6+s2+$0x0], $0xffff  }
0x93: {  	v5 =	vld.idx.msk [tilespmem:v5+s2+$0x0], $0xffff;
	_ =	sdelay $0x3  }
0x94: {  	[tilespmem:s19+$0x20] =	vst v6  }
0x95: {  	v6 =	vld [tilespmem:s18+$0x30];
	[tilespmem:s19+$0xFFFFFFA0] =	vst v5  }
0x96: {  	v5 =	vld [tilespmem:s18+$0xFFFFFFB0];
	_ =	sdelay $0x6  }
0x97: {  	v6 =	vld.idx.msk [tilespmem:v6+s2+$0x0], $0xffff  }
0x98: {  	v5 =	vld.idx.msk [tilespmem:v5+s2+$0x0], $0xffff;
	_ =	sdelay $0x2  }
0x99: {  	[tilespmem:s17+$0xFFFFFFB0] =	vst v4  }
0x9a: {  	v59 =	vld [tilespmem:s16+$0xFFFFFFC0];
	[tilespmem:s19+$0x30] =	vst v6  }
0x9b: {  	v58 =	vld [tilespmem:s18+$0x40];
	[tilespmem:s19+$0xFFFFFFB0] =	vst v5  }
0x9c: {  	v5 =	vld [tilespmem:s18+$0xFFFFFFC0];
	_ =	sdelay $0x4  }
0x9d: {  	v3 =	vld.idx.msk [tilespmem:v3+s2+$0x0], $0xffff  }
0x9e: {  	v6 =	vld.idx.msk [tilespmem:v59+s2+$0x0], $0xffff  }
0x9f: {  	v4 =	vld.idx.msk [tilespmem:v58+s2+$0x0], $0xffff  }
0xa0: {  	v5 =	vld.idx.msk [tilespmem:v5+s2+$0x0], $0xffff;
	_ =	sdelay $0x1  }
0xa1: {  	[tilespmem:s17+$0x40] =	vst v3  }
0xa2: {  	v3 =	vld [tilespmem:s16+$0x50];
	[tilespmem:s17+$0xFFFFFFC0] =	vst v6  }
0xa3: {  	v6 =	vld [tilespmem:s16+$0xFFFFFFD0];
	[tilespmem:s19+$0x40] =	vst v4  }
0xa4: {  	v4 =	vld [tilespmem:s18+$0x50];
	[tilespmem:s19+$0xFFFFFFC0] =	vst v5  }
0xa5: {  	v5 =	vld [tilespmem:s18+$0xFFFFFFD0];
	_ =	sdelay $0x4  }
0xa6: {  	v3 =	vld.idx.msk [tilespmem:v3+s2+$0x0], $0xffff  }
0xa7: {  	v6 =	vld.idx.msk [tilespmem:v6+s2+$0x0], $0xffff  }
0xa8: {  	v4 =	vld.idx.msk [tilespmem:v4+s2+$0x0], $0xffff  }
0xa9: {  	v5 =	vld.idx.msk [tilespmem:v5+s2+$0x0], $0xffff  }
0xaa: {  	[tilespmem:s14+$0xFFFFFFD0] =	vst v2  }
0xab: {  	v61 =	vld [tilespmem:s15+$0xFFFFFFE0];
	[tilespmem:s17+$0x50] =	vst v3  }
0xac: {  	v60 =	vld [tilespmem:s16+$0x60];
	[tilespmem:s17+$0xFFFFFFD0] =	vst v6  }
0xad: {  	v6 =	vld [tilespmem:s16+$0xFFFFFFE0];
	[tilespmem:s19+$0x50] =	vst v4  }
0xae: {  	v4 =	vld [tilespmem:s18+$0x60];
	[tilespmem:s19+$0xFFFFFFD0] =	vst v5  }
0xaf: {  	v5 =	vld [tilespmem:s18+$0xFFFFFFE0];
	_ =	sdelay $0x2  }
0xb0: {  	v1 =	vld.idx.msk [tilespmem:v1+s2+$0x0], $0xffff  }
0xb1: {  	v3 =	vld.idx.msk [tilespmem:v61+s2+$0x0], $0xffff  }
0xb2: {  	v2 =	vld.idx.msk [tilespmem:v60+s2+$0x0], $0xffff  }
0xb3: {  	v6 =	vld.idx.msk [tilespmem:v6+s2+$0x0], $0xffff  }
0xb4: {  	v4 =	vld.idx.msk [tilespmem:v4+s2+$0x0], $0xffff  }
0xb5: {  	[tilespmem:s14+$0x60] =	vst v1;
	v5 =	vld.idx.msk [tilespmem:v5+s2+$0x0], $0xffff  }
0xb6: {  	v1 =	vld [tilespmem:s15+$0x70];
	[tilespmem:s14+$0xFFFFFFE0] =	vst v3  }
0xb7: {  	v3 =	vld [tilespmem:s15+$0xFFFFFFF0];
	[tilespmem:s17+$0x60] =	vst v2  }
0xb8: {  	v2 =	vld [tilespmem:s16+$0x70];
	[tilespmem:s17+$0xFFFFFFE0] =	vst v6  }
0xb9: {  	v6 =	vld [tilespmem:s16+$0xFFFFFFF0];
	[tilespmem:s19+$0x60] =	vst v4  }
0xba: {  	v4 =	vld [tilespmem:s18+$0x70];
	[tilespmem:s19+$0xFFFFFFE0] =	vst v5  }
0xbb: {  	v5 =	vld [tilespmem:s18+$0xFFFFFFF0];
	_ =	sdelay $0x1  }
0xbc: {  	v0 =	vld.idx.msk [tilespmem:v0+s2+$0x0], $0xffff  }
0xbd: {  	v1 =	vld.idx.msk [tilespmem:v1+s2+$0x0], $0xffff  }
0xbe: {  	v3 =	vld.idx.msk [tilespmem:v3+s2+$0x0], $0xffff  }
0xbf: {  	v2 =	vld.idx.msk [tilespmem:v2+s2+$0x0], $0xffff  }
0xc0: {  	v62 =	vld.idx.msk [tilespmem:v6+s2+$0x0], $0xffff  }
0xc1: {  	[tilespmem:s13+$0xFFFFFFF0] =	vst v0;
	v4 =	vld.idx.msk [tilespmem:v4+s2+$0x0], $0xffff  }
0xc2: {  	[tilespmem:s14+$0x70] =	vst v1;
	v63 =	vld.idx.msk [tilespmem:v5+s2+$0x0], $0xffff  }
0xc3: {  	[tilespmem:s14+$0xFFFFFFF0] =	vst v3  }
0xc4: {  	[tilespmem:s17+$0x70] =	vst v2  }
0xc5: {  	s12 =	sadd.s32 $0x1, s12;
	[tilespmem:s17+$0xFFFFFFF0] =	vst v62  }
0xc6: {  	p0 =	sne.s32 s12, s6;
	[tilespmem:s19+$0x70] =	vst v4  }
.Ltmp1:
0xc7: {  	[tilespmem:s19+$0xFFFFFFF0] =	vst v63;
	(pc) =	sbr.rel @p0 .LBB2_1-.Ltmp1, $4  }
0xc8: {  	[hbm4b:s5+s8] =	stream.strided.scatter [tilespmem:s11], [sflag:$0x1], $0x1900, s9, s8, $0x38;
	[tilespmem:$0xB200] =	vst v63  }
0xc9: {  	_ =	swait.ge [sflag:s7], $0x1900  }
0xca: {  	[sflag:s7] =	ssyncset.done $0x0  }
0xcb: {  	[sflag:s7] =	ssyncadd.s32 $0xFFFFE700  }
0xcc: {  	_ =	sfence.sel $0x180000  }
0xcd: {  	[bflag:$0x0] =	sbarrier.arrive $0xFFFF  }
0xce: {  	p0 =	sne.s32 s1, $0x0;
	_ =	strace $0x90000047  }
0xcf: {  	s0 =	sadd.s32 @!p0 $0x100000, s0;
	[bflag:$0x2] =	sbarrier.arrive $0xFFFF  }
0xd0: {  	[sflag:s0] =	ssyncadd.tile.s32 @!p0 $0x1;
	_ =	shalt  }
.Lfunc_end2:
_tile_overlayer_lowered:
.L_overlay_start_2:
0xd1: {  	(tag) =	ssettag $0x2  }
0xd2: {  	s0 =	rddreg [dreg:$0x0];
	s2 =	stileid.u32  }
0xd3: {  	s1 =	rddreg [dreg:$0x1];
	p0 =	sne.s32 s2, $0x0  }
0xd4: {  	s3 =	rddreg [dreg:$0x2];
	[bflag:$0x3] =	sbarrier.arrive $0xFFFF;
	s2 =	simm.s32 @!p0 $0x1C01  }
0xd5: {  	[timem:s3], [sflag:s2] =	dma.local @!p0 [hbm:s0], s1  }
0xd6: {  	s0 =	simm.s32 @!p0 $0x1  }
0xd7: {  	_ =	swait.ge @!p0 [sflag:s0], s1  }
0xd8: {  	s1 =	ssub.s32 @!p0 $0x0, s1;
	[sflag:s0] =	ssyncset.done @!p0 $0x0  }
0xd9: {  	[sflag:s0] =	ssyncadd.s32 @!p0 s1  }
0xda: {  	[bflag:$0x3] =	sbarrier.arrive $0xFFFF  }
0xdb: {  	_ =	shalt  }

</sc_bundles>
